<compile_context>
chip_gen: v7x
topology: tpu7x:2x2x1
jax: 0.10.2.dev20260603
libtpu: 0.0.44.dev20260713+nightly
codegen_flags: <defaults>
</compile_context>

<pallas_src>
import functools

import jax
import jax.numpy as jnp
from jax import lax
from jax.experimental import pallas as pl
from jax.experimental.pallas import tpu as pltpu
from jax.experimental.pallas import tpu_sc as plsc

_L = 16

_N = 8192 * 4096
_NW = 32
_PER_W = _N // _NW
_CHUNK = 16384
_NCHUNK = _PER_W // _CHUNK
_BM_WORDS = 32768
_YN = 4096
_UNROLL = 4


def _build_bitmap(yb, bm):

    def _zero(i, c):
        bm[pl.ds(i * _L, _L)] = jnp.zeros((_L,), jnp.int32)
        return c

    lax.fori_loop(0, _BM_WORDS // _L, _zero, 0)

    def _buildv(i, c):
        yv = yb[pl.ds(i * _L, _L)]
        widx = lax.shift_right_logical(yv, 5)
        bit = lax.shift_left(jnp.int32(1), jnp.bitwise_and(yv, 31))

        def _step(_, m):
            w = plsc.load_gather(bm, [widx])
            plsc.store_scatter(bm, [widx], jnp.bitwise_or(w, bit), mask=m)
            w2 = plsc.load_gather(bm, [widx])
            return jnp.bitwise_and(w2, bit) != bit

        lax.fori_loop(0, _L, _step, jnp.ones((_L,), jnp.bool_))
        return c

    lax.fori_loop(0, _YN // _L, _buildv, 0)


def _lookup(bm, xv):
    w = plsc.load_gather(bm, [lax.shift_right_logical(xv, 5)])
    return jnp.bitwise_and(
        lax.shift_right_logical(w, jnp.bitwise_and(xv, 31)), 1
    )


def _body(x_hbm, y_hbm, out_hbm, yb, bm, xb0, xb1, ob0, ob1,
          si0, si1, so0, so1):
    nc = 2
    wid = lax.axis_index("s") * nc + lax.axis_index("c")
    base = wid * _PER_W

    pltpu.sync_copy(y_hbm, yb)
    _build_bitmap(yb, bm)

    xbufs = (xb0, xb1)
    obufs = (ob0, ob1)
    isems = (si0, si1)
    osems = (so0, so1)

    def _in_copy(c, p):
        return pltpu.make_async_copy(
            x_hbm.at[pl.ds(base + c * _CHUNK, _CHUNK)], xbufs[p], isems[p]
        )

    def _out_copy(c, p):
        return pltpu.make_async_copy(
            obufs[p], out_hbm.at[pl.ds(base + c * _CHUNK, _CHUNK)], osems[p]
        )

    def _compute(p):
        xb, ob = xbufs[p], obufs[p]

        def _vec(i, c2):
            for u in range(_UNROLL):
                off = (i * _UNROLL + u) * _L
                ob[pl.ds(off, _L)] = _lookup(bm, xb[pl.ds(off, _L)])
            return c2

        lax.fori_loop(0, _CHUNK // (_L * _UNROLL), _vec, 0)

    _in_copy(0, 0).start()
    _in_copy(1, 1).start()

    def _chunk(k, c):
        for p in range(2):
            cidx = 2 * k + p
            _in_copy(cidx, p).wait()

            @pl.when(k > 0)
            def _drain():
                _out_copy(cidx, p).wait()

            _compute(p)
            _out_copy(cidx, p).start()

            @pl.when(cidx + 2 < _NCHUNK)
            def _prefetch():
                _in_copy(cidx + 2, p).start()

        return c

    lax.fori_loop(0, _NCHUNK // 2, _chunk, 0)
    _out_copy(_NCHUNK - 2, 0).wait()
    _out_copy(_NCHUNK - 1, 1).wait()


@jax.jit
def _isin_sc(xf, y):
    run = functools.partial(
        pl.kernel,
        out_type=jax.ShapeDtypeStruct((_N,), jnp.int32),
        mesh=plsc.VectorSubcoreMesh(core_axis_name="c", subcore_axis_name="s"),
        compiler_params=pltpu.CompilerParams(needs_layout_passes=False),
        scratch_types=[
            pltpu.VMEM((_YN,), jnp.int32),
            pltpu.VMEM((_BM_WORDS,), jnp.int32),
            pltpu.VMEM((_CHUNK,), jnp.int32),
            pltpu.VMEM((_CHUNK,), jnp.int32),
            pltpu.VMEM((_CHUNK,), jnp.int32),
            pltpu.VMEM((_CHUNK,), jnp.int32),
            pltpu.SemaphoreType.DMA,
            pltpu.SemaphoreType.DMA,
            pltpu.SemaphoreType.DMA,
            pltpu.SemaphoreType.DMA,
        ],
    )(_body)
    return run(xf, y)


def kernel(x, y):
    xf = x.reshape(-1).astype(jnp.int32)
    out = _isin_sc(xf, y.astype(jnp.int32))
    return out.reshape(x.shape).astype(jnp.bool_)

# --- scband reference (transcript-rebuilt; emitter-appended) ---
"""Pipeline reference for scband-aten-isin-24515673325834 (READ-ONLY COPY).

The authoritative reference and input builder live on the scoring server;
editing this copy changes nothing except your own understanding.
"""

import jax, jax.numpy as jnp
import numpy as np

INVERT = False

def _isin(x, y, invert):
    # Faithful isin via sort + searchsorted (same result as torch.isin,
    # O(N log M) instead of the O(N*M) broadcast, to keep memory bounded).
    ys = jnp.sort(y.ravel())
    xf = x.ravel()
    idx = jnp.clip(jnp.searchsorted(ys, xf), 0, ys.size - 1)
    found = ys[idx] == xf
    res = found.reshape(x.shape)
    return jnp.logical_not(res) if invert else res

def setup_inputs(seed: int = 0) -> dict:
    key = jax.random.key(seed)
    k1, k2 = jax.random.split(key)
    x = jax.random.randint(k1, (8192, 4096), 0, 1000000, dtype=jnp.int64)
    y = jax.random.randint(k2, (4096,), 0, 1000000, dtype=jnp.int64)
    return {"x": x, "y": y}

def reference(x, y) -> jnp.ndarray:
    return _isin(x, y, INVERT)

if __name__ == "__main__":
    import jax
    _d = setup_inputs()
    print(jax.jit(kernel)(*tuple(_d.values())))

</pallas_src>

<mosaic_0001>
#map = affine_map<(d0, d1) -> (0)>
module attributes {stable_mosaic.version = 14 : i64} {
  func.func @_body(%arg0: i32, %arg1: i32, %arg2: memref<33554432xi32, #tpu.memory_space<hbm>>, %arg3: memref<4096xi32, #tpu.memory_space<hbm>>, %arg4: memref<33554432xi32, #tpu.memory_space<hbm>>, %arg5: memref<4096xi32, #tpu.memory_space<vmem>>, %arg6: memref<32768xi32, #tpu.memory_space<vmem>>, %arg7: memref<16384xi32, #tpu.memory_space<vmem>>, %arg8: memref<16384xi32, #tpu.memory_space<vmem>>, %arg9: memref<16384xi32, #tpu.memory_space<vmem>>, %arg10: memref<16384xi32, #tpu.memory_space<vmem>>, %arg11: memref<!tpu.dma_semaphore, #tpu.memory_space<semaphore_mem>>, %arg12: memref<!tpu.dma_semaphore, #tpu.memory_space<semaphore_mem>>, %arg13: memref<!tpu.dma_semaphore, #tpu.memory_space<semaphore_mem>>, %arg14: memref<!tpu.dma_semaphore, #tpu.memory_space<semaphore_mem>>) attributes {dimension_semantics = [#tpu.dimension_semantics<core_parallel>, #tpu.dimension_semantics<subcore_parallel>], iteration_bounds = array<i64: 2, 16>, scalar_prefetch = 0 : i64, scratch_operands = 10 : i64, tpu.core_type = #tpu.core_type<sc_vector_subcore>, window_params = [{transform_indices = #map}, {transform_indices = #map}, {transform_indices = #map}]} {
    %mul3A = arith.constant 2 : i32
    %mul3A_0 = arith.muli %arg1, %mul3A : i32
    %add3A = arith.addi %mul3A_0, %arg0 : i32
    %mul3A_1 = arith.constant 1048576 : i32
    %mul3A_2 = arith.muli %add3A, %mul3A_1 : i32
    "tpu.region"() ({
      %run_scoped3A = tpu.sem_alloc : memref<!tpu.dma_semaphore, #tpu.memory_space<semaphore_mem>>
      tpu.enqueue_dma source(%arg3 : memref<4096xi32, #tpu.memory_space<hbm>>) target(%arg5 : memref<4096xi32, #tpu.memory_space<vmem>>) target_semaphore(%run_scoped3A : memref<!tpu.dma_semaphore, #tpu.memory_space<semaphore_mem>>)
      tpu.wait_dma2 semaphore(%run_scoped3A : memref<!tpu.dma_semaphore, #tpu.memory_space<semaphore_mem>>) src(%arg3 : memref<4096xi32, #tpu.memory_space<hbm>>) dst(%arg5 : memref<4096xi32, #tpu.memory_space<vmem>>)
      tpu.yield
    }) : () -> ()
    %scan3A = arith.constant 0 : i32
    %scan3A_3 = arith.constant 0 : i32
    %scan3A_4 = arith.constant 2048 : i32
    %scan3A_5 = arith.addi %scan3A_3, %scan3A_4 : i32
    %scan3A_6 = arith.constant 1 : i32
    scf.for %scan3A_34 = %scan3A_3 to %scan3A_5 step %scan3A_6  : i32 {
      %broadcast_in_dim3A = arith.constant 0 : i32
      %broadcast_in_dim3A_35 = vector.broadcast %broadcast_in_dim3A : i32 to vector<16xi32>
      %mul3A_36 = arith.constant 16 : i32
      %mul3A_37 = arith.muli %scan3A_34, %mul3A_36 : i32
      %swap3A = arith.index_cast %mul3A_37 : i32 to index
      %swap3A_38 = tpu.vector_load %arg6[%swap3A] {strides = array<i32>} : memref<32768xi32, #tpu.memory_space<vmem>>, vector<16xi32>,
      tpu.vector_store %arg6[%swap3A], %broadcast_in_dim3A_35 {strides = array<i32>} : memref<32768xi32, #tpu.memory_space<vmem>>, vector<16xi32>,
    }
    %scan3A_7 = arith.constant 2048 : i32
    %scan3A_8 = arith.constant 0 : i32
    %scan3A_9 = arith.constant 0 : i32
    %scan3A_10 = arith.constant 256 : i32
    %scan3A_11 = arith.addi %scan3A_9, %scan3A_10 : i32
    %scan3A_12 = arith.constant 1 : i32
    scf.for %scan3A_34 = %scan3A_9 to %scan3A_11 step %scan3A_12  : i32 {
      %mul3A_35 = arith.constant 16 : i32
      %mul3A_36 = arith.muli %scan3A_34, %mul3A_35 : i32
      %get3A = arith.index_cast %mul3A_36 : i32 to index
      %get3A_37 = tpu.vector_load %arg5[%get3A] {strides = array<i32>} : memref<4096xi32, #tpu.memory_space<vmem>>, vector<16xi32>,
      %shift_right_logical3A = arith.constant 5 : i32
      %shift_right_logical3A_38 = vector.broadcast %shift_right_logical3A : i32 to vector<16xi32>
      %shift_right_logical3A_39 = arith.shrui %get3A_37, %shift_right_logical3A_38 : vector<16xi32>
      %and3A = arith.constant 31 : i32
      %and3A_40 = vector.broadcast %and3A : i32 to vector<16xi32>
      %and3A_41 = arith.andi %get3A_37, %and3A_40 : vector<16xi32>
      %shift_left3A = arith.constant 1 : i32
      %shift_left3A_42 = vector.broadcast %shift_left3A : i32 to vector<16xi32>
      %shift_left3A_43 = arith.shli %shift_left3A_42, %and3A_41 : vector<16xi32>
      %broadcast_in_dim3A = arith.constant true
      %broadcast_in_dim3A_44 = vector.broadcast %broadcast_in_dim3A : i1 to vector<16xi1>
      %scan3A_45 = arith.constant 0 : i32
      %scan3A_46 = arith.constant 16 : i32
      %scan3A_47 = arith.addi %scan3A_45, %scan3A_46 : i32
      %scan3A_48 = arith.constant 1 : i32
      %scan3A_49 = scf.for %scan3A_51 = %scan3A_45 to %scan3A_47 step %scan3A_48 iter_args(%scan3A_52 = %broadcast_in_dim3A_44) -> (vector<16xi1>)  : i32 {
        %gather3A = tpu.vector_load_idx %arg6[%shift_right_logical3A_39] : memref<32768xi32, #tpu.memory_space<vmem>>[vector<16xi32>], vector<16xi32>,
        %or3A = arith.ori %gather3A, %shift_left3A_43 : vector<16xi32>
        tpu.vector_store_idx %arg6[%shift_right_logical3A_39], %or3A masked %scan3A_52 : memref<32768xi32, #tpu.memory_space<vmem>>[vector<16xi32>], vector<16xi32>, vector<16xi1>
        %gather3A_53 = tpu.vector_load_idx %arg6[%shift_right_logical3A_39] : memref<32768xi32, #tpu.memory_space<vmem>>[vector<16xi32>], vector<16xi32>,
        %and3A_54 = arith.andi %gather3A_53, %shift_left3A_43 : vector<16xi32>
        %ne3A = arith.cmpi ne, %and3A_54, %shift_left3A_43 : vector<16xi32>
        scf.yield %ne3A : vector<16xi1>
      }
      %scan3A_50 = arith.constant 16 : i32
    }
    %scan3A_13 = arith.constant 256 : i32
    %add3A_14 = arith.constant 0 : i32
    %add3A_15 = arith.addi %mul3A_2, %add3A_14 : i32
    %dma_start3A = tpu.memref_slice %arg2[%add3A_15] : memref<33554432xi32, #tpu.memory_space<hbm>> -> memref<16384xi32, #tpu.memory_space<hbm>>
    %dma_start3A_16 = tpu.memref_slice %arg2[%add3A_15] : memref<33554432xi32, #tpu.memory_space<hbm>> -> memref<16384xi32, #tpu.memory_space<hbm>>
    tpu.enqueue_dma source(%dma_start3A_16 : memref<16384xi32, #tpu.memory_space<hbm>>) target(%arg7 : memref<16384xi32, #tpu.memory_space<vmem>>) target_semaphore(%arg11 : memref<!tpu.dma_semaphore, #tpu.memory_space<semaphore_mem>>)
    %add3A_17 = arith.constant 16384 : i32
    %add3A_18 = arith.addi %mul3A_2, %add3A_17 : i32
    %dma_start3A_19 = tpu.memref_slice %arg2[%add3A_18] : memref<33554432xi32, #tpu.memory_space<hbm>> -> memref<16384xi32, #tpu.memory_space<hbm>>
    %dma_start3A_20 = tpu.memref_slice %arg2[%add3A_18] : memref<33554432xi32, #tpu.memory_space<hbm>> -> memref<16384xi32, #tpu.memory_space<hbm>>
    tpu.enqueue_dma source(%dma_start3A_20 : memref<16384xi32, #tpu.memory_space<hbm>>) target(%arg8 : memref<16384xi32, #tpu.memory_space<vmem>>) target_semaphore(%arg12 : memref<!tpu.dma_semaphore, #tpu.memory_space<semaphore_mem>>)
    %scan3A_21 = arith.constant 0 : i32
    %scan3A_22 = arith.constant 0 : i32
    %scan3A_23 = arith.constant 32 : i32
    %scan3A_24 = arith.addi %scan3A_22, %scan3A_23 : i32
    %scan3A_25 = arith.constant 1 : i32
    scf.for %scan3A_34 = %scan3A_22 to %scan3A_24 step %scan3A_25  : i32 {
      %mul3A_35 = arith.constant 2 : i32
      %mul3A_36 = arith.muli %mul3A_35, %scan3A_34 : i32
      %add3A_37 = arith.constant 0 : i32
      %add3A_38 = arith.addi %mul3A_36, %add3A_37 : i32
      %mul3A_39 = arith.constant 16384 : i32
      %mul3A_40 = arith.muli %add3A_38, %mul3A_39 : i32
      %add3A_41 = arith.addi %mul3A_2, %mul3A_40 : i32
      %dma_wait3A_42 = tpu.memref_slice %arg2[%add3A_41] : memref<33554432xi32, #tpu.memory_space<hbm>> -> memref<16384xi32, #tpu.memory_space<hbm>>
      %dma_wait3A_43 = tpu.memref_slice %arg2[%add3A_41] : memref<33554432xi32, #tpu.memory_space<hbm>> -> memref<16384xi32, #tpu.memory_space<hbm>>
      tpu.wait_dma2 semaphore(%arg11 : memref<!tpu.dma_semaphore, #tpu.memory_space<semaphore_mem>>) src(%dma_wait3A_43 : memref<16384xi32, #tpu.memory_space<hbm>>) dst(%arg7 : memref<16384xi32, #tpu.memory_space<vmem>>)
      %gt3A = arith.constant 0 : i32
      %gt3A_44 = arith.cmpi sgt, %scan3A_34, %gt3A : i32
      %convert_element_type3A = arith.extui %gt3A_44 : i1 to i32
      %cond3A = arith.constant 0 : i32
      %cond3A_45 = arith.cmpi ne, %convert_element_type3A, %cond3A : i32
      scf.if %cond3A_45 {
        %mul3A_95 = arith.constant 16384 : i32
        %mul3A_96 = arith.muli %add3A_38, %mul3A_95 : i32
        %add3A_97 = arith.addi %mul3A_2, %mul3A_96 : i32
        %dma_wait3A_98 = tpu.memref_slice %arg4[%add3A_97] : memref<33554432xi32, #tpu.memory_space<hbm>> -> memref<16384xi32, #tpu.memory_space<hbm>>
        %dma_wait3A_99 = tpu.memref_slice %arg4[%add3A_97] : memref<33554432xi32, #tpu.memory_space<hbm>> -> memref<16384xi32, #tpu.memory_space<hbm>>
        tpu.wait_dma2 semaphore(%arg13 : memref<!tpu.dma_semaphore, #tpu.memory_space<semaphore_mem>>) src(%arg9 : memref<16384xi32, #tpu.memory_space<vmem>>) dst(%dma_wait3A_99 : memref<16384xi32, #tpu.memory_space<hbm>>)
      } else {
      }
      %scan3A_46 = arith.constant 0 : i32
      %scan3A_47 = arith.constant 0 : i32
      %scan3A_48 = arith.constant 256 : i32
      %scan3A_49 = arith.addi %scan3A_47, %scan3A_48 : i32
      %scan3A_50 = arith.constant 1 : i32
      scf.for %scan3A_95 = %scan3A_47 to %scan3A_49 step %scan3A_50  : i32 {
        %mul3A_96 = arith.constant 4 : i32
        %mul3A_97 = arith.muli %scan3A_95, %mul3A_96 : i32
        %add3A_98 = arith.constant 0 : i32
        %add3A_99 = arith.addi %mul3A_97, %add3A_98 : i32
        %mul3A_100 = arith.constant 16 : i32
        %mul3A_101 = arith.muli %add3A_99, %mul3A_100 : i32
        %get3A = arith.index_cast %mul3A_101 : i32 to index
        %get3A_102 = tpu.vector_load %arg7[%get3A] {strides = array<i32>} : memref<16384xi32, #tpu.memory_space<vmem>>, vector<16xi32>,
        %shift_right_logical3A = arith.constant 5 : i32
        %shift_right_logical3A_103 = vector.broadcast %shift_right_logical3A : i32 to vector<16xi32>
        %shift_right_logical3A_104 = arith.shrui %get3A_102, %shift_right_logical3A_103 : vector<16xi32>
        %gather3A = tpu.vector_load_idx %arg6[%shift_right_logical3A_104] : memref<32768xi32, #tpu.memory_space<vmem>>[vector<16xi32>], vector<16xi32>,
        %and3A = arith.constant 31 : i32
        %and3A_105 = vector.broadcast %and3A : i32 to vector<16xi32>
        %and3A_106 = arith.andi %get3A_102, %and3A_105 : vector<16xi32>
        %shift_right_logical3A_107 = arith.shrui %gather3A, %and3A_106 : vector<16xi32>
        %and3A_108 = arith.constant 1 : i32
        %and3A_109 = vector.broadcast %and3A_108 : i32 to vector<16xi32>
        %and3A_110 = arith.andi %shift_right_logical3A_107, %and3A_109 : vector<16xi32>
        %swap3A = arith.index_cast %mul3A_101 : i32 to index
        %swap3A_111 = tpu.vector_load %arg9[%swap3A] {strides = array<i32>} : memref<16384xi32, #tpu.memory_space<vmem>>, vector<16xi32>,
        tpu.vector_store %arg9[%swap3A], %and3A_110 {strides = array<i32>} : memref<16384xi32, #tpu.memory_space<vmem>>, vector<16xi32>,
        %mul3A_112 = arith.constant 4 : i32
        %mul3A_113 = arith.muli %scan3A_95, %mul3A_112 : i32
        %add3A_114 = arith.constant 1 : i32
        %add3A_115 = arith.addi %mul3A_113, %add3A_114 : i32
        %mul3A_116 = arith.constant 16 : i32
        %mul3A_117 = arith.muli %add3A_115, %mul3A_116 : i32
        %get3A_118 = arith.index_cast %mul3A_117 : i32 to index
        %get3A_119 = tpu.vector_load %arg7[%get3A_118] {strides = array<i32>} : memref<16384xi32, #tpu.memory_space<vmem>>, vector<16xi32>,
        %shift_right_logical3A_120 = arith.constant 5 : i32
        %shift_right_logical3A_121 = vector.broadcast %shift_right_logical3A_120 : i32 to vector<16xi32>
        %shift_right_logical3A_122 = arith.shrui %get3A_119, %shift_right_logical3A_121 : vector<16xi32>
        %gather3A_123 = tpu.vector_load_idx %arg6[%shift_right_logical3A_122] : memref<32768xi32, #tpu.memory_space<vmem>>[vector<16xi32>], vector<16xi32>,
        %and3A_124 = arith.constant 31 : i32
        %and3A_125 = vector.broadcast %and3A_124 : i32 to vector<16xi32>
        %and3A_126 = arith.andi %get3A_119, %and3A_125 : vector<16xi32>
        %shift_right_logical3A_127 = arith.shrui %gather3A_123, %and3A_126 : vector<16xi32>
        %and3A_128 = arith.constant 1 : i32
        %and3A_129 = vector.broadcast %and3A_128 : i32 to vector<16xi32>
        %and3A_130 = arith.andi %shift_right_logical3A_127, %and3A_129 : vector<16xi32>
        %swap3A_131 = arith.index_cast %mul3A_117 : i32 to index
        %swap3A_132 = tpu.vector_load %arg9[%swap3A_131] {strides = array<i32>} : memref<16384xi32, #tpu.memory_space<vmem>>, vector<16xi32>,
        tpu.vector_store %arg9[%swap3A_131], %and3A_130 {strides = array<i32>} : memref<16384xi32, #tpu.memory_space<vmem>>, vector<16xi32>,
        %mul3A_133 = arith.constant 4 : i32
        %mul3A_134 = arith.muli %scan3A_95, %mul3A_133 : i32
        %add3A_135 = arith.constant 2 : i32
        %add3A_136 = arith.addi %mul3A_134, %add3A_135 : i32
        %mul3A_137 = arith.constant 16 : i32
        %mul3A_138 = arith.muli %add3A_136, %mul3A_137 : i32
        %get3A_139 = arith.index_cast %mul3A_138 : i32 to index
        %get3A_140 = tpu.vector_load %arg7[%get3A_139] {strides = array<i32>} : memref<16384xi32, #tpu.memory_space<vmem>>, vector<16xi32>,
        %shift_right_logical3A_141 = arith.constant 5 : i32
        %shift_right_logical3A_142 = vector.broadcast %shift_right_logical3A_141 : i32 to vector<16xi32>
        %shift_right_logical3A_143 = arith.shrui %get3A_140, %shift_right_logical3A_142 : vector<16xi32>
        %gather3A_144 = tpu.vector_load_idx %arg6[%shift_right_logical3A_143] : memref<32768xi32, #tpu.memory_space<vmem>>[vector<16xi32>], vector<16xi32>,
        %and3A_145 = arith.constant 31 : i32
        %and3A_146 = vector.broadcast %and3A_145 : i32 to vector<16xi32>
        %and3A_147 = arith.andi %get3A_140, %and3A_146 : vector<16xi32>
        %shift_right_logical3A_148 = arith.shrui %gather3A_144, %and3A_147 : vector<16xi32>
        %and3A_149 = arith.constant 1 : i32
        %and3A_150 = vector.broadcast %and3A_149 : i32 to vector<16xi32>
        %and3A_151 = arith.andi %shift_right_logical3A_148, %and3A_150 : vector<16xi32>
        %swap3A_152 = arith.index_cast %mul3A_138 : i32 to index
        %swap3A_153 = tpu.vector_load %arg9[%swap3A_152] {strides = array<i32>} : memref<16384xi32, #tpu.memory_space<vmem>>, vector<16xi32>,
        tpu.vector_store %arg9[%swap3A_152], %and3A_151 {strides = array<i32>} : memref<16384xi32, #tpu.memory_space<vmem>>, vector<16xi32>,
        %mul3A_154 = arith.constant 4 : i32
        %mul3A_155 = arith.muli %scan3A_95, %mul3A_154 : i32
        %add3A_156 = arith.constant 3 : i32
        %add3A_157 = arith.addi %mul3A_155, %add3A_156 : i32
        %mul3A_158 = arith.constant 16 : i32
        %mul3A_159 = arith.muli %add3A_157, %mul3A_158 : i32
        %get3A_160 = arith.index_cast %mul3A_159 : i32 to index
        %get3A_161 = tpu.vector_load %arg7[%get3A_160] {strides = array<i32>} : memref<16384xi32, #tpu.memory_space<vmem>>, vector<16xi32>,
        %shift_right_logical3A_162 = arith.constant 5 : i32
        %shift_right_logical3A_163 = vector.broadcast %shift_right_logical3A_162 : i32 to vector<16xi32>
        %shift_right_logical3A_164 = arith.shrui %get3A_161, %shift_right_logical3A_163 : vector<16xi32>
        %gather3A_165 = tpu.vector_load_idx %arg6[%shift_right_logical3A_164] : memref<32768xi32, #tpu.memory_space<vmem>>[vector<16xi32>], vector<16xi32>,
        %and3A_166 = arith.constant 31 : i32
        %and3A_167 = vector.broadcast %and3A_166 : i32 to vector<16xi32>
        %and3A_168 = arith.andi %get3A_161, %and3A_167 : vector<16xi32>
        %shift_right_logical3A_169 = arith.shrui %gather3A_165, %and3A_168 : vector<16xi32>
        %and3A_170 = arith.constant 1 : i32
        %and3A_171 = vector.broadcast %and3A_170 : i32 to vector<16xi32>
        %and3A_172 = arith.andi %shift_right_logical3A_169, %and3A_171 : vector<16xi32>
        %swap3A_173 = arith.index_cast %mul3A_159 : i32 to index
        %swap3A_174 = tpu.vector_load %arg9[%swap3A_173] {strides = array<i32>} : memref<16384xi32, #tpu.memory_space<vmem>>, vector<16xi32>,
        tpu.vector_store %arg9[%swap3A_173], %and3A_172 {strides = array<i32>} : memref<16384xi32, #tpu.memory_space<vmem>>, vector<16xi32>,
      }
      %scan3A_51 = arith.constant 256 : i32
      %mul3A_52 = arith.constant 16384 : i32
      %mul3A_53 = arith.muli %add3A_38, %mul3A_52 : i32
      %add3A_54 = arith.addi %mul3A_2, %mul3A_53 : i32
      %dma_start3A_55 = tpu.memref_slice %arg4[%add3A_54] : memref<33554432xi32, #tpu.memory_space<hbm>> -> memref<16384xi32, #tpu.memory_space<hbm>>
      %dma_start3A_56 = tpu.memref_slice %arg4[%add3A_54] : memref<33554432xi32, #tpu.memory_space<hbm>> -> memref<16384xi32, #tpu.memory_space<hbm>>
      tpu.enqueue_dma source(%arg9 : memref<16384xi32, #tpu.memory_space<vmem>>) target(%dma_start3A_56 : memref<16384xi32, #tpu.memory_space<hbm>>) target_semaphore(%arg13 : memref<!tpu.dma_semaphore, #tpu.memory_space<semaphore_mem>>)
      %add3A_57 = arith.constant 2 : i32
      %add3A_58 = arith.addi %add3A_38, %add3A_57 : i32
      %lt3A = arith.constant 64 : i32
      %lt3A_59 = arith.cmpi slt, %add3A_58, %lt3A : i32
      %convert_element_type3A_60 = arith.extui %lt3A_59 : i1 to i32
      %cond3A_61 = arith.constant 0 : i32
      %cond3A_62 = arith.cmpi ne, %convert_element_type3A_60, %cond3A_61 : i32
      scf.if %cond3A_62 {
        %add3A_95 = arith.constant 2 : i32
        %add3A_96 = arith.addi %add3A_38, %add3A_95 : i32
        %mul3A_97 = arith.constant 16384 : i32
        %mul3A_98 = arith.muli %add3A_96, %mul3A_97 : i32
        %add3A_99 = arith.addi %mul3A_2, %mul3A_98 : i32
        %dma_start3A_100 = tpu.memref_slice %arg2[%add3A_99] : memref<33554432xi32, #tpu.memory_space<hbm>> -> memref<16384xi32, #tpu.memory_space<hbm>>
        %dma_start3A_101 = tpu.memref_slice %arg2[%add3A_99] : memref<33554432xi32, #tpu.memory_space<hbm>> -> memref<16384xi32, #tpu.memory_space<hbm>>
        tpu.enqueue_dma source(%dma_start3A_101 : memref<16384xi32, #tpu.memory_space<hbm>>) target(%arg7 : memref<16384xi32, #tpu.memory_space<vmem>>) target_semaphore(%arg11 : memref<!tpu.dma_semaphore, #tpu.memory_space<semaphore_mem>>)
      } else {
      }
      %mul3A_63 = arith.constant 2 : i32
      %mul3A_64 = arith.muli %mul3A_63, %scan3A_34 : i32
      %add3A_65 = arith.constant 1 : i32
      %add3A_66 = arith.addi %mul3A_64, %add3A_65 : i32
      %mul3A_67 = arith.constant 16384 : i32
      %mul3A_68 = arith.muli %add3A_66, %mul3A_67 : i32
      %add3A_69 = arith.addi %mul3A_2, %mul3A_68 : i32
      %dma_wait3A_70 = tpu.memref_slice %arg2[%add3A_69] : memref<33554432xi32, #tpu.memory_space<hbm>> -> memref<16384xi32, #tpu.memory_space<hbm>>
      %dma_wait3A_71 = tpu.memref_slice %arg2[%add3A_69] : memref<33554432xi32, #tpu.memory_space<hbm>> -> memref<16384xi32, #tpu.memory_space<hbm>>
      tpu.wait_dma2 semaphore(%arg12 : memref<!tpu.dma_semaphore, #tpu.memory_space<semaphore_mem>>) src(%dma_wait3A_71 : memref<16384xi32, #tpu.memory_space<hbm>>) dst(%arg8 : memref<16384xi32, #tpu.memory_space<vmem>>)
      %gt3A_72 = arith.constant 0 : i32
      %gt3A_73 = arith.cmpi sgt, %scan3A_34, %gt3A_72 : i32
      %convert_element_type3A_74 = arith.extui %gt3A_73 : i1 to i32
      %cond3A_75 = arith.constant 0 : i32
      %cond3A_76 = arith.cmpi ne, %convert_element_type3A_74, %cond3A_75 : i32
      scf.if %cond3A_76 {
        %mul3A_95 = arith.constant 16384 : i32
        %mul3A_96 = arith.muli %add3A_66, %mul3A_95 : i32
        %add3A_97 = arith.addi %mul3A_2, %mul3A_96 : i32
        %dma_wait3A_98 = tpu.memref_slice %arg4[%add3A_97] : memref<33554432xi32, #tpu.memory_space<hbm>> -> memref<16384xi32, #tpu.memory_space<hbm>>
        %dma_wait3A_99 = tpu.memref_slice %arg4[%add3A_97] : memref<33554432xi32, #tpu.memory_space<hbm>> -> memref<16384xi32, #tpu.memory_space<hbm>>
        tpu.wait_dma2 semaphore(%arg14 : memref<!tpu.dma_semaphore, #tpu.memory_space<semaphore_mem>>) src(%arg10 : memref<16384xi32, #tpu.memory_space<vmem>>) dst(%dma_wait3A_99 : memref<16384xi32, #tpu.memory_space<hbm>>)
      } else {
      }
      %scan3A_77 = arith.constant 0 : i32
      %scan3A_78 = arith.constant 0 : i32
      %scan3A_79 = arith.constant 256 : i32
      %scan3A_80 = arith.addi %scan3A_78, %scan3A_79 : i32
      %scan3A_81 = arith.constant 1 : i32
      scf.for %scan3A_95 = %scan3A_78 to %scan3A_80 step %scan3A_81  : i32 {
        %mul3A_96 = arith.constant 4 : i32
        %mul3A_97 = arith.muli %scan3A_95, %mul3A_96 : i32
        %add3A_98 = arith.constant 0 : i32
        %add3A_99 = arith.addi %mul3A_97, %add3A_98 : i32
        %mul3A_100 = arith.constant 16 : i32
        %mul3A_101 = arith.muli %add3A_99, %mul3A_100 : i32
        %get3A = arith.index_cast %mul3A_101 : i32 to index
        %get3A_102 = tpu.vector_load %arg8[%get3A] {strides = array<i32>} : memref<16384xi32, #tpu.memory_space<vmem>>, vector<16xi32>,
        %shift_right_logical3A = arith.constant 5 : i32
        %shift_right_logical3A_103 = vector.broadcast %shift_right_logical3A : i32 to vector<16xi32>
        %shift_right_logical3A_104 = arith.shrui %get3A_102, %shift_right_logical3A_103 : vector<16xi32>
        %gather3A = tpu.vector_load_idx %arg6[%shift_right_logical3A_104] : memref<32768xi32, #tpu.memory_space<vmem>>[vector<16xi32>], vector<16xi32>,
        %and3A = arith.constant 31 : i32
        %and3A_105 = vector.broadcast %and3A : i32 to vector<16xi32>
        %and3A_106 = arith.andi %get3A_102, %and3A_105 : vector<16xi32>
        %shift_right_logical3A_107 = arith.shrui %gather3A, %and3A_106 : vector<16xi32>
        %and3A_108 = arith.constant 1 : i32
        %and3A_109 = vector.broadcast %and3A_108 : i32 to vector<16xi32>
        %and3A_110 = arith.andi %shift_right_logical3A_107, %and3A_109 : vector<16xi32>
        %swap3A = arith.index_cast %mul3A_101 : i32 to index
        %swap3A_111 = tpu.vector_load %arg10[%swap3A] {strides = array<i32>} : memref<16384xi32, #tpu.memory_space<vmem>>, vector<16xi32>,
        tpu.vector_store %arg10[%swap3A], %and3A_110 {strides = array<i32>} : memref<16384xi32, #tpu.memory_space<vmem>>, vector<16xi32>,
        %mul3A_112 = arith.constant 4 : i32
        %mul3A_113 = arith.muli %scan3A_95, %mul3A_112 : i32
        %add3A_114 = arith.constant 1 : i32
        %add3A_115 = arith.addi %mul3A_113, %add3A_114 : i32
        %mul3A_116 = arith.constant 16 : i32
        %mul3A_117 = arith.muli %add3A_115, %mul3A_116 : i32
        %get3A_118 = arith.index_cast %mul3A_117 : i32 to index
        %get3A_119 = tpu.vector_load %arg8[%get3A_118] {strides = array<i32>} : memref<16384xi32, #tpu.memory_space<vmem>>, vector<16xi32>,
        %shift_right_logical3A_120 = arith.constant 5 : i32
        %shift_right_logical3A_121 = vector.broadcast %shift_right_logical3A_120 : i32 to vector<16xi32>
        %shift_right_logical3A_122 = arith.shrui %get3A_119, %shift_right_logical3A_121 : vector<16xi32>
        %gather3A_123 = tpu.vector_load_idx %arg6[%shift_right_logical3A_122] : memref<32768xi32, #tpu.memory_space<vmem>>[vector<16xi32>], vector<16xi32>,
        %and3A_124 = arith.constant 31 : i32
        %and3A_125 = vector.broadcast %and3A_124 : i32 to vector<16xi32>
        %and3A_126 = arith.andi %get3A_119, %and3A_125 : vector<16xi32>
        %shift_right_logical3A_127 = arith.shrui %gather3A_123, %and3A_126 : vector<16xi32>
        %and3A_128 = arith.constant 1 : i32
        %and3A_129 = vector.broadcast %and3A_128 : i32 to vector<16xi32>
        %and3A_130 = arith.andi %shift_right_logical3A_127, %and3A_129 : vector<16xi32>
        %swap3A_131 = arith.index_cast %mul3A_117 : i32 to index
        %swap3A_132 = tpu.vector_load %arg10[%swap3A_131] {strides = array<i32>} : memref<16384xi32, #tpu.memory_space<vmem>>, vector<16xi32>,
        tpu.vector_store %arg10[%swap3A_131], %and3A_130 {strides = array<i32>} : memref<16384xi32, #tpu.memory_space<vmem>>, vector<16xi32>,
        %mul3A_133 = arith.constant 4 : i32
        %mul3A_134 = arith.muli %scan3A_95, %mul3A_133 : i32
        %add3A_135 = arith.constant 2 : i32
        %add3A_136 = arith.addi %mul3A_134, %add3A_135 : i32
        %mul3A_137 = arith.constant 16 : i32
        %mul3A_138 = arith.muli %add3A_136, %mul3A_137 : i32
        %get3A_139 = arith.index_cast %mul3A_138 : i32 to index
        %get3A_140 = tpu.vector_load %arg8[%get3A_139] {strides = array<i32>} : memref<16384xi32, #tpu.memory_space<vmem>>, vector<16xi32>,
        %shift_right_logical3A_141 = arith.constant 5 : i32
        %shift_right_logical3A_142 = vector.broadcast %shift_right_logical3A_141 : i32 to vector<16xi32>
        %shift_right_logical3A_143 = arith.shrui %get3A_140, %shift_right_logical3A_142 : vector<16xi32>
        %gather3A_144 = tpu.vector_load_idx %arg6[%shift_right_logical3A_143] : memref<32768xi32, #tpu.memory_space<vmem>>[vector<16xi32>], vector<16xi32>,
        %and3A_145 = arith.constant 31 : i32
        %and3A_146 = vector.broadcast %and3A_145 : i32 to vector<16xi32>
        %and3A_147 = arith.andi %get3A_140, %and3A_146 : vector<16xi32>
        %shift_right_logical3A_148 = arith.shrui %gather3A_144, %and3A_147 : vector<16xi32>
        %and3A_149 = arith.constant 1 : i32
        %and3A_150 = vector.broadcast %and3A_149 : i32 to vector<16xi32>
        %and3A_151 = arith.andi %shift_right_logical3A_148, %and3A_150 : vector<16xi32>
        %swap3A_152 = arith.index_cast %mul3A_138 : i32 to index
        %swap3A_153 = tpu.vector_load %arg10[%swap3A_152] {strides = array<i32>} : memref<16384xi32, #tpu.memory_space<vmem>>, vector<16xi32>,
        tpu.vector_store %arg10[%swap3A_152], %and3A_151 {strides = array<i32>} : memref<16384xi32, #tpu.memory_space<vmem>>, vector<16xi32>,
        %mul3A_154 = arith.constant 4 : i32
        %mul3A_155 = arith.muli %scan3A_95, %mul3A_154 : i32
        %add3A_156 = arith.constant 3 : i32
        %add3A_157 = arith.addi %mul3A_155, %add3A_156 : i32
        %mul3A_158 = arith.constant 16 : i32
        %mul3A_159 = arith.muli %add3A_157, %mul3A_158 : i32
        %get3A_160 = arith.index_cast %mul3A_159 : i32 to index
        %get3A_161 = tpu.vector_load %arg8[%get3A_160] {strides = array<i32>} : memref<16384xi32, #tpu.memory_space<vmem>>, vector<16xi32>,
        %shift_right_logical3A_162 = arith.constant 5 : i32
        %shift_right_logical3A_163 = vector.broadcast %shift_right_logical3A_162 : i32 to vector<16xi32>
        %shift_right_logical3A_164 = arith.shrui %get3A_161, %shift_right_logical3A_163 : vector<16xi32>
        %gather3A_165 = tpu.vector_load_idx %arg6[%shift_right_logical3A_164] : memref<32768xi32, #tpu.memory_space<vmem>>[vector<16xi32>], vector<16xi32>,
        %and3A_166 = arith.constant 31 : i32
        %and3A_167 = vector.broadcast %and3A_166 : i32 to vector<16xi32>
        %and3A_168 = arith.andi %get3A_161, %and3A_167 : vector<16xi32>
        %shift_right_logical3A_169 = arith.shrui %gather3A_165, %and3A_168 : vector<16xi32>
        %and3A_170 = arith.constant 1 : i32
        %and3A_171 = vector.broadcast %and3A_170 : i32 to vector<16xi32>
        %and3A_172 = arith.andi %shift_right_logical3A_169, %and3A_171 : vector<16xi32>
        %swap3A_173 = arith.index_cast %mul3A_159 : i32 to index
        %swap3A_174 = tpu.vector_load %arg10[%swap3A_173] {strides = array<i32>} : memref<16384xi32, #tpu.memory_space<vmem>>, vector<16xi32>,
        tpu.vector_store %arg10[%swap3A_173], %and3A_172 {strides = array<i32>} : memref<16384xi32, #tpu.memory_space<vmem>>, vector<16xi32>,
      }
      %scan3A_82 = arith.constant 256 : i32
      %mul3A_83 = arith.constant 16384 : i32
      %mul3A_84 = arith.muli %add3A_66, %mul3A_83 : i32
      %add3A_85 = arith.addi %mul3A_2, %mul3A_84 : i32
      %dma_start3A_86 = tpu.memref_slice %arg4[%add3A_85] : memref<33554432xi32, #tpu.memory_space<hbm>> -> memref<16384xi32, #tpu.memory_space<hbm>>
      %dma_start3A_87 = tpu.memref_slice %arg4[%add3A_85] : memref<33554432xi32, #tpu.memory_space<hbm>> -> memref<16384xi32, #tpu.memory_space<hbm>>
      tpu.enqueue_dma source(%arg10 : memref<16384xi32, #tpu.memory_space<vmem>>) target(%dma_start3A_87 : memref<16384xi32, #tpu.memory_space<hbm>>) target_semaphore(%arg14 : memref<!tpu.dma_semaphore, #tpu.memory_space<semaphore_mem>>)
      %add3A_88 = arith.constant 2 : i32
      %add3A_89 = arith.addi %add3A_66, %add3A_88 : i32
      %lt3A_90 = arith.constant 64 : i32
      %lt3A_91 = arith.cmpi slt, %add3A_89, %lt3A_90 : i32
      %convert_element_type3A_92 = arith.extui %lt3A_91 : i1 to i32
      %cond3A_93 = arith.constant 0 : i32
      %cond3A_94 = arith.cmpi ne, %convert_element_type3A_92, %cond3A_93 : i32
      scf.if %cond3A_94 {
        %add3A_95 = arith.constant 2 : i32
        %add3A_96 = arith.addi %add3A_66, %add3A_95 : i32
        %mul3A_97 = arith.constant 16384 : i32
        %mul3A_98 = arith.muli %add3A_96, %mul3A_97 : i32
        %add3A_99 = arith.addi %mul3A_2, %mul3A_98 : i32
        %dma_start3A_100 = tpu.memref_slice %arg2[%add3A_99] : memref<33554432xi32, #tpu.memory_space<hbm>> -> memref<16384xi32, #tpu.memory_space<hbm>>
        %dma_start3A_101 = tpu.memref_slice %arg2[%add3A_99] : memref<33554432xi32, #tpu.memory_space<hbm>> -> memref<16384xi32, #tpu.memory_space<hbm>>
        tpu.enqueue_dma source(%dma_start3A_101 : memref<16384xi32, #tpu.memory_space<hbm>>) target(%arg8 : memref<16384xi32, #tpu.memory_space<vmem>>) target_semaphore(%arg12 : memref<!tpu.dma_semaphore, #tpu.memory_space<semaphore_mem>>)
      } else {
      }
    }
    %scan3A_26 = arith.constant 32 : i32
    %add3A_27 = arith.constant 1015808 : i32
    %add3A_28 = arith.addi %mul3A_2, %add3A_27 : i32
    %dma_wait3A = tpu.memref_slice %arg4[%add3A_28] : memref<33554432xi32, #tpu.memory_space<hbm>> -> memref<16384xi32, #tpu.memory_space<hbm>>
    %dma_wait3A_29 = tpu.memref_slice %arg4[%add3A_28] : memref<33554432xi32, #tpu.memory_space<hbm>> -> memref<16384xi32, #tpu.memory_space<hbm>>
    tpu.wait_dma2 semaphore(%arg13 : memref<!tpu.dma_semaphore, #tpu.memory_space<semaphore_mem>>) src(%arg9 : memref<16384xi32, #tpu.memory_space<vmem>>) dst(%dma_wait3A_29 : memref<16384xi32, #tpu.memory_space<hbm>>)
    %add3A_30 = arith.constant 1032192 : i32
    %add3A_31 = arith.addi %mul3A_2, %add3A_30 : i32
    %dma_wait3A_32 = tpu.memref_slice %arg4[%add3A_31] : memref<33554432xi32, #tpu.memory_space<hbm>> -> memref<16384xi32, #tpu.memory_space<hbm>>
    %dma_wait3A_33 = tpu.memref_slice %arg4[%add3A_31] : memref<33554432xi32, #tpu.memory_space<hbm>> -> memref<16384xi32, #tpu.memory_space<hbm>>
    tpu.wait_dma2 semaphore(%arg14 : memref<!tpu.dma_semaphore, #tpu.memory_space<semaphore_mem>>) src(%arg10 : memref<16384xi32, #tpu.memory_space<vmem>>) dst(%dma_wait3A_33 : memref<16384xi32, #tpu.memory_space<hbm>>)
    return
  }
}

</mosaic_0001>

<sc_bundles>
// kernel: _isin_sc.3.cloned.1.call-start
scs
__scs_entry_jumppad:
0x0: {  	(pc) =	sbr.rel $0x88, $3  }
0x1: {  	(tag) =	ssettag $0x0;
	lr =	simm.s32 $0x1  }
0x2: {  	[smem:$0x3F9F] =	sst lr;
	_ =	strace $0xD0000000  }
0x3: {  	_ = 	snop  }
0x4: {  	_ = 	snop  }
0x5: {  	_ = 	snop  }
0x6: {  	_ = 	snop  }
0x7: {  	_ = 	snop  }
__scs_overlays_trampoline_lowered:
0x8: {  	[smem:$0x3FAE] =	sst s0  }
0x9: {  	[smem:$0x3FAF] =	sst s1  }
0xa: {  	[smem:$0x3FB0] =	sst s2  }
0xb: {  	[smem:$0x3FB1] =	sst s3  }
0xc: {  	[smem:$0x3FB2] =	sst s4  }
0xd: {  	[smem:$0x3FB3] =	sst s5  }
0xe: {  	[smem:$0x3FB4] =	sst s6  }
0xf: {  	[smem:$0x3FB5] =	sst s7  }
0x10: {  	[smem:$0x3FB6] =	sst s8  }
0x11: {  	[smem:$0x3FB7] =	sst s9;
	s0 =	simm.s32 @!p0 $0x0  }
0x12: {  	s1 =	sld [smem:$0x3F9D];
	s0 =	simm.s32 @p0 $0x1  }
0x13: {  	[smem:$0x3FB8] =	sst s0;
	s0 =	simm.s32 @!p1 $0x0  }
0x14: {  	s2 =	sld [smem:$0x3F9C];
	s0 =	simm.s32 @p1 $0x1  }
0x15: {  	[smem:$0x3FB9] =	sst s0;
	s0 =	simm.s32 @!p2 $0x0  }
0x16: {  	s3 =	sld [smem:$0x3FDB];
	s0 =	simm.s32 @p2 $0x1  }
0x17: {  	s4 =	simm.s32 $0x1BF5;
	[smem:$0x3FBB] =	sst s0  }
0x18: {  	s0 =	sld [smem:$0x3F9E];
	_ =	swait.ge [sflag:s4], $0x0  }
0x19: {  	s7 =	sld [smem:$0x3F9F]  }
0x1a: {  	s8 =	sadd.s32 $0xFFFFE003, lr  }
0x1b: {  	s9 =	sadd.s32 $0xFFFFFEF7, lr;
	s5 =	simm.s32 $0xFFFFFFFF;
	p2 =	slt.u32 s8, $0xFFFFF086  }
0x1c: {  	p1 =	slt.u32 s9, $0xF7A;
	s5 =	simm.s32 @!p2 $0x0  }
0x1d: {  	s5 =	simm.s32 @p1 $0x1;
	p0 =	seq.s32 s7, s2  }
0x1e: {  	s7 =	smul.u32 @!p0 $0xF7A, s2;
	p2 =	seq.s32 @!p0 s5, $0x0  }
0x1f: {  	s9 =	smul.u32 $0xF7A, s1;
	s8 =	simm.s32 @!p0 $0x1BF5;
	p2 =	por !p2, p0  }
0x20: {  	[sflag:s8] =	ssyncset.s32 @!p0 $0xFFFFF086;
	s6 =	sadd.s32 @!p0 s3, s7;
	s7 =	simm.s32 @!p0 $0x108  }
0x21: {  	s3 =	sadd.s32 s3, s9;
	s6 =	sadd.s32 @!p0 $0x88, s6;
	s7 =	simm.s32 @p2 $0x1082  }
0x22: {  	[simem:s7], [sflag:s8] =	dma.local @!p0 [hbm:s6], $0xF7A  }
0x23: {  	s9 =	sor.u32 $0xD0000000, s2;
	s6 =	simm.s32 $0x108;
	_ =	swait.ge @!p0 [sflag:s8], $0x0  }
0x24: {  	s3 =	sadd.s32 $0x88, s3;
	s6 =	simm.s32 @!p1 $0x1082;
	[sflag:s4] =	ssyncset.s32 $0xFFFFF086  }
0x25: {  	[simem:s6], [sflag:s4] =	dma.local [hbm:s3], $0xF7A  }
0x26: {  	[smem:$0x3F9F] =	sst s1;
	(tag) =	ssettag s2;
	_ =	strace s9  }
0x27: {  	s1 =	sld [smem:$0x3FAF]  }
0x28: {  	s2 =	sld [smem:$0x3FB0]  }
0x29: {  	s4 =	sld [smem:$0x3FB2]  }
0x2a: {  	p0 =	seq.s32 s5, $0x0;
	s5 =	sld [smem:$0x3FB3]  }
0x2b: {  	s6 =	sld [smem:$0x3FB4]  }
0x2c: {  	s7 =	sld [smem:$0x3FB5]  }
0x2d: {  	s3 =	simm.s32 $0x108;
	s8 =	sld [smem:$0x3FB6]  }
0x2e: {  	s3 =	simm.s32 @!p0 $0x1082;
	s9 =	sld [smem:$0x3FB7]  }
0x2f: {  	lr =	sadd.s32 s0, s3;
	s0 =	sld [smem:$0x3FAE]  }
0x30: {  	s3 =	sld [smem:$0x3FB1]  }
0x31: {  	[smem:$0x3FBA] =	sst s10  }
0x32: {  	s10 =	sld [smem:$0x3FB8];
	_ =	sdelay $0x3  }
0x33: {  	p0 =	seq.s32 s10, $0x1;
	s10 =	sld [smem:$0x3FBA];
	_ =	sdelay $0x3  }
0x34: {  	[smem:$0x3FBA] =	sst s10  }
0x35: {  	s10 =	sld [smem:$0x3FB9];
	_ =	sdelay $0x3  }
0x36: {  	p1 =	seq.s32 s10, $0x1;
	s10 =	sld [smem:$0x3FBA];
	_ =	sdelay $0x3  }
0x37: {  	[smem:$0x3FBA] =	sst s10  }
0x38: {  	s10 =	sld [smem:$0x3FBB]  }
0x39: {  	_ = 	snop;
	(pc) =	sbr.ind lr, $3  }
0x3a: {  	_ = 	snop  }
0x3b: {  	_ = 	snop  }
0x3c: {  	p2 =	seq.s32 s10, $0x1;
	s10 =	sld [smem:$0x3FBA]  }
0x3d: {  	_ =	shalt  }
0x3e: {  	_ =	shalt  }
0x3f: {  	_ =	shalt  }
0x40: {  	_ =	shalt  }
0x41: {  	_ =	shalt  }
0x42: {  	_ =	shalt  }
0x43: {  	_ =	shalt  }
0x44: {  	_ =	shalt  }
0x45: {  	_ =	shalt  }
0x46: {  	_ =	shalt  }
0x47: {  	_ =	shalt  }
0x48: {  	_ =	shalt  }
0x49: {  	_ =	shalt  }
0x4a: {  	_ =	shalt  }
0x4b: {  	_ =	shalt  }
0x4c: {  	_ =	shalt  }
0x4d: {  	_ =	shalt  }
0x4e: {  	_ =	shalt  }
0x4f: {  	_ =	shalt  }
0x50: {  	_ =	shalt  }
0x51: {  	_ =	shalt  }
0x52: {  	_ =	shalt  }
0x53: {  	_ =	shalt  }
0x54: {  	_ =	shalt  }
0x55: {  	_ =	shalt  }
0x56: {  	_ =	shalt  }
0x57: {  	_ =	shalt  }
0x58: {  	_ =	shalt  }
0x59: {  	_ =	shalt  }
0x5a: {  	_ =	shalt  }
0x5b: {  	_ =	shalt  }
0x5c: {  	_ =	shalt  }
0x5d: {  	_ =	shalt  }
0x5e: {  	_ =	shalt  }
0x5f: {  	_ =	shalt  }
0x60: {  	_ =	shalt  }
0x61: {  	_ =	shalt  }
0x62: {  	_ =	shalt  }
0x63: {  	_ =	shalt  }
0x64: {  	_ =	shalt  }
0x65: {  	_ =	shalt  }
0x66: {  	_ =	shalt  }
0x67: {  	_ =	shalt  }
0x68: {  	_ =	shalt  }
0x69: {  	_ =	shalt  }
0x6a: {  	_ =	shalt  }
0x6b: {  	_ =	shalt  }
0x6c: {  	_ =	shalt  }
0x6d: {  	_ =	shalt  }
0x6e: {  	_ =	shalt  }
0x6f: {  	_ =	shalt  }
0x70: {  	_ =	shalt  }
0x71: {  	_ =	shalt  }
0x72: {  	_ =	shalt  }
0x73: {  	_ =	shalt  }
0x74: {  	_ =	shalt  }
0x75: {  	_ =	shalt  }
0x76: {  	_ =	shalt  }
0x77: {  	_ =	shalt  }
0x78: {  	_ =	shalt  }
0x79: {  	_ =	shalt  }
0x7a: {  	_ =	shalt  }
0x7b: {  	_ =	shalt  }
0x7c: {  	_ =	shalt  }
0x7d: {  	_ =	shalt  }
0x7e: {  	_ =	shalt  }
0x7f: {  	_ =	shalt  }
0x80: {  	_ =	shalt  }
0x81: {  	_ =	shalt  }
0x82: {  	_ =	shalt  }
0x83: {  	_ =	shalt  }
0x84: {  	_ =	shalt  }
0x85: {  	_ =	shalt  }
0x86: {  	_ =	shalt  }
0x87: {  	_ =	shalt  }
.Lfunc_end0:
.L_simem_size_0:
called_computation_lowered:
.L_overlay_start_0:
0x88: {  	s2 =	sld [smem:$0x3FD9]  }
0x89: {  	s3 =	sld [smem:$0x3FFE];
	_ =	sdelay $0x1  }
0x8a: {  	s1 =	srdreg.scid  }
0x8b: {  	s0 =	sand.u32 $0x1, s1  }
0x8c: {  	s18 =	sshll.u32 s0, $0xA;
	s2 =	sadd.s32 s3, s2  }
0x8d: {  	s2 =	sadd.s32 s2, s18  }
0x8e: {  	[smem:$0x3FC6] =	sst s2  }
0x8f: {  	_ = 	snop  }
0x90: {  	s2 =	sld [smem:$0x3FC9]  }
0x91: {  	s19 =	sld [smem:$0x3FC8]  }
0x92: {  	s4 =	sld [smem:$0x3FD0];
	(tm) =	ssettm $0x1  }
0x93: {  	s5 =	sld [smem:$0x3FFB];
	_ =	sdelay $0x3  }
0x94: {  	_ =	strace s5  }
0x95: {  	s5 =	sld [smem:$0x3FFC];
	_ =	sdelay $0x3  }
0x96: {  	_ =	strace s5  }
0x97: {  	s5 =	sld [smem:$0x3FFD];
	_ =	sdelay $0x3  }
0x98: {  	_ =	strace s5  }
0x99: {  	_ =	strace $0x8FFFFFFF  }
0x9a: {  	s20 =	sld [smem:$0x3FDB];
	_ =	sdelay $0x1  }
0x9b: {  	s6 =	simm.s32 $_scs_section_size  }
0x9c: {  	s7 =	simm.s32 $_size__tile_overlayer_lowered;
	s8 =	simm.s32 $_tile_overlayer_lowered  }
0x9d: {  	s23 =	simm.s32 $0x1BFF;
	s22 =	sshll.u32 s8, $0x1;
	s5 =	sadd.s32 s6, s20  }
0x9e: {  	s9 =	simm.s32 $0x0;
	s21 =	sshll.u32 s7, $0x1;
	s7 =	sadd.s32 s22, s5  }
0x9f: {  	[timem:s9], [sflag:s23] =	dma.local [hbm:s7], s21  }
0xa0: {  	_ =	swait.ge [sflag:s23], s21  }
0xa1: {  	s6 =	ssub.s32 $0x0, s21;
	[sflag:s23] =	ssyncset.done $0x0  }
0xa2: {  	[sflag:s23] =	ssyncadd.s32 s6;
	_ =	sdelay $0x1  }
0xa3: {  	s24 =	simm.s32 $0x1B8B  }
0xa4: {  	_ =	swait.ge [sflag:s24], $0x1  }
0xa5: {  	[sflag:s24] =	ssyncset.done $0x0  }
0xa6: {  	s25 =	simm.s32 $0x1B8E;
	[sflag:s24] =	ssyncadd.s32 $0xFFFFFFFF  }
0xa7: {  	s26 =	simm.s32 $execute0_lowered;
	[smem:$0x3FD2] =	sst s25  }
0xa8: {  	s6 =	sshll.u32 s26, $0x1;
	_ =	strace $0x80000046;
	[dreg:$0x1] =	wrdreg $0xFFFFFFFF  }
0xa9: {  	s28 =	simm.s32 $_size_execute0_lowered;
	s5 =	sadd.s32 s5, s6;
	[dreg:$0x0] =	wrdreg $0x0  }
0xaa: {  	s6 =	sshll.u32 s28, $0x1;
	[dreg:$0x2] =	wrdreg s5  }
0xab: {  	[dreg:$0x3] =	wrdreg s6  }
0xac: {  	[dreg:$0x4] =	wrdreg $0xC0  }
0xad: {  	_ =	task [dreg:s9], $0x5FFFF  }
0xae: {  	[dreg:$0x1] =	wrdreg $0xFFFFFFFF  }
0xaf: {  	[dreg:$0x0] =	wrdreg $0x60  }
0xb0: {  	[dreg:$0x2] =	wrdreg s2  }
0xb1: {  	[dreg:$0x3] =	wrdreg s19  }
0xb2: {  	[dreg:$0x4] =	wrdreg s4  }
0xb3: {  	[dreg:$0x5] =	wrdreg $0x9  }
0xb4: {  	_ =	task.clear_ibuf [dreg:s9], $0x6FFFF;
	_ =	strace $0x90000046  }
0xb5: {  	s29 =	simm.s32 $0x9;
	_ =	strace $0x80000048  }
0xb6: {  	_ =	swait.ge [sflag:s29], $0x1  }
0xb7: {  	[sflag:s29] =	ssyncadd.s32 $0xFFFFFFFF  }
0xb8: {  	_ =	strace $0x90000048  }
0xb9: {  	_ =	sfence  }
0xba: {  	s30 =	sld [smem:$0x0];
	_ =	sdelay $0x2  }
0xbb: {  	s31 =	sshll.u32 s1, $0xD;
	s1 =	sshrl.u32 s1, $0x2  }
0xbc: {  	s3 =	sand.u32 $0x4000, s31;
	s1 =	sadd.s32 s1, s30  }
0xbd: {  	s0 =	sor.u32 s3, s0;
	s1 =	sshll.u32 s1, $0x11  }
0xbe: {  	s0 =	sor.u32 s1, s0  }
0xbf: {  	s0 =	sadd.s32 $0x8F2B, s0  }
0xc0: {  	[sflag:s0] =	ssyncadd.remote.s32 $0x1  }
0xc1: {  	_ =	sfence.sel $0xFFFF  }
0xc2: {  	[dreg:$0x0] =	wrdreg $0xFFFFFFFF;
	(pc) =	sbr.abs _section_cstart, $3  }
0xc3: {  	[dreg:$0x1] =	wrdreg $0xFFFFFFFF  }
0xc4: {  	_ =	task.clear_ibuf [dreg:s9], $0x2FFFF;
	_ =	strace $0x9FFFFFFF  }
0xc5: {  	(tm) =	ssettm $0x7FFFFFFF  }
tec
execute0_lowered:
.L_overlay_start_1:
0x0: {  	(tag) =	ssettag $0x1  }
0x1: {  	s2 =	rddreg [dreg:$0x0]  }
0x2: {  	s3 =	rddreg [dreg:$0x1]  }
0x3: {  	s0 =	srdreg.scid;
	s4 =	rddreg [dreg:$0x2]  }
0x4: {  	s1 =	stileid.u32;
	s5 =	simm.s32 $0x0;
	s12 =	simm.s32 $0x5  }
0x5: {  	s13 =	simm.s32 $0x1000;
	s14 =	simm.s32 $0x9000;
	s15 =	simm.s32 $0xD000  }
0x6: {  	s16 =	simm.s32 $0x1;
	s17 =	simm.s32 $0x11000;
	s18 =	simm.s32 $0x2  }
0x7: {  	s19 =	simm.s32 $0x4;
	s20 =	simm.s32 $0x15000;
	s21 =	simm.s32 $0x3  }
0x8: {  	s22 =	simm.s32 $0x0;
	s6 =	sand.u32 $0x1, s0;
	s0 =	rddreg [dreg:$0x3]  }
.Ltmp0:
0x9: {  	s7 =	sshll.u32 s1, $0x15;
	s8 =	sshll.u32 s6, $0x14;
	(pc) =	sbr.rel .LBB2_1-.Ltmp0, $4  }
0xa: {  	[smem:$0x7FF] =	sst s5;
	s9 =	ssub.s32 $0x2, s6;
	s6 =	sor.u32 s8, s7  }
0xb: {  	_ =	strace $0x80000047;
	s31 =	sshrl.u32 s9, $0x1;
	s8 =	sshrl.u32 s6, $0x3  }
0xc: {  	s11 =	ssub.s32 s9, s31;
	s9 =	sor.u32 $0x8000, s6;
	s7 =	sadd.s32 s2, s8  }
0xd: {  	v0 =	vimm.s32 $0x0;
	v1 =	vimm.s32 $0x1;
	s10 =	sor.u32 $0xC000, s6;
	s11 =	smax.u32 s11, $0x1;
	s8 =	sadd.s32 $0x800, s7  }
.LBB2_16:
0xe: {  	s22 =	sadd.s32 $0x1, s22  }
0xf: {  	_ =	swait.ge [sflag:s21], $0x4000;
	p0 =	sne.s32 s22, s11  }
.Ltmp1:
0x10: {  	[sflag:s21] =	ssyncset.done $0x0;
	(pc) =	sbr.rel @!p0 .LBB2_17-.Ltmp1, $4  }
0x11: {  	[sflag:s21] =	ssyncadd.s32 $0xFFFFC000  }
0x12: {  	_ =	swait.ge [sflag:s19], $0x4000  }
0x13: {  	[sflag:s19] =	ssyncset.done $0x0  }
0x14: {  	[sflag:s19] =	ssyncadd.s32 $0xFFFFC000  }
.LBB2_1:
0x15: {  	[tilespmem:s5], [sflag:$0x5] =	stream.linear.gather [hbm4b:s3+s5], $0x1000, $0x38;
	[tilespmem:$0x19000] =	vst v63  }
0x16: {  	_ =	swait.ge [sflag:s12], $0x1000  }
0x17: {  	[sflag:s12] =	ssyncset.done $0x0  }
0x18: {  	s23 =	simm.s32 $0x0;
	[sflag:s12] =	ssyncadd.s32 $0xFFFFF000  }
.LBB2_2:
0x19: {  	p0 =	sne.s32 s23, $0x1FFC0  }
.Ltmp2:
0x1a: {  	_ = 	snop;
	(pc) =	sbr.rel @p0 .LBB2_2-.Ltmp2, $3  }
0x1b: {  	_ =	sdelay $0x1  }
0x1c: {  	s24 =	sshra.s32 s23, $0x2  }
0x1d: {  	s23 =	sadd.s32 $0x40, s23;
	[tilespmem:s24+$0x1000] =	vst v0  }
0x1e: {  	s23 =	simm.s32 $0x0  }
.LBB2_4:
0x1f: {  	s24 =	sshra.s32 s23, $0x2  }
0x20: {  	v2 =	vld [tilespmem:s24+$0x0];
	_ =	sdelay $0x4  }
0x21: {  	v3 =	vshrl.u32 v2, $0x5;
	_ =	sdelay $0x4  }
0x22: {  	v4 =	vld.idx.msk [tilespmem:v3+s13+$0x0], $0xffff;
	_ =	sdelay $0x2  }
0x23: {  	v2 =	vand.u32 $0x1F, v2  }
0x24: {  	v2 =	vshll.u32 v1, v2  }
0x25: {  	v4 =	vor.u32 v2, v4  }
0x26: {  	[tilespmem:v3+s13+$0x0] =	vst.idx.msk $0xffff, v4  }
0x27: {  	v4 =	vld.idx.msk [tilespmem:v3+s13+$0x0], $0xffff;
	_ =	sdelay $0x4  }
0x28: {  	v5 =	vand.u32 v2, v4  }
0x29: {  	vm0 =	veq.s32 v5, $0x0;
	_ =	sdelay $0x4  }
0x2a: {  	v4 =	vor.u32 v2, v4  }
0x2b: {  	[tilespmem:v3+s13+$0x0] =	vst.idx.msk vm0, v4  }
0x2c: {  	v4 =	vld.idx.msk [tilespmem:v3+s13+$0x0], $0xffff;
	_ =	sdelay $0x4  }
0x2d: {  	v50 =	vand.u32 v2, v4  }
0x2e: {  	vm14 =	veq.s32 v50, $0x0;
	_ =	sdelay $0x4  }
0x2f: {  	v4 =	vor.u32 v2, v4  }
0x30: {  	[tilespmem:v3+s13+$0x0] =	vst.idx.msk vm14, v4  }
0x31: {  	v4 =	vld.idx.msk [tilespmem:v3+s13+$0x0], $0xffff;
	_ =	sdelay $0x4  }
0x32: {  	v51 =	vand.u32 v2, v4  }
0x33: {  	vm15 =	veq.s32 v51, $0x0;
	_ =	sdelay $0x4  }
0x34: {  	v4 =	vor.u32 v2, v4  }
0x35: {  	[tilespmem:v3+s13+$0x0] =	vst.idx.msk vm15, v4  }
0x36: {  	v4 =	vld.idx.msk [tilespmem:v3+s13+$0x0], $0xffff;
	_ =	sdelay $0x4  }
0x37: {  	v52 =	vand.u32 v2, v4  }
0x38: {  	vm4 =	veq.s32 v52, $0x0;
	_ =	sdelay $0x4  }
0x39: {  	v4 =	vor.u32 v2, v4  }
0x3a: {  	[tilespmem:v3+s13+$0x0] =	vst.idx.msk vm4, v4  }
0x3b: {  	v4 =	vld.idx.msk [tilespmem:v3+s13+$0x0], $0xffff;
	_ =	sdelay $0x4  }
0x3c: {  	v53 =	vand.u32 v2, v4  }
0x3d: {  	vm5 =	veq.s32 v53, $0x0;
	_ =	sdelay $0x4  }
0x3e: {  	v4 =	vor.u32 v2, v4  }
0x3f: {  	[tilespmem:v3+s13+$0x0] =	vst.idx.msk vm5, v4  }
0x40: {  	v4 =	vld.idx.msk [tilespmem:v3+s13+$0x0], $0xffff;
	_ =	sdelay $0x4  }
0x41: {  	v54 =	vand.u32 v2, v4  }
0x42: {  	vm6 =	veq.s32 v54, $0x0;
	_ =	sdelay $0x4  }
0x43: {  	v4 =	vor.u32 v2, v4  }
0x44: {  	[tilespmem:v3+s13+$0x0] =	vst.idx.msk vm6, v4  }
0x45: {  	v4 =	vld.idx.msk [tilespmem:v3+s13+$0x0], $0xffff;
	_ =	sdelay $0x4  }
0x46: {  	v55 =	vand.u32 v2, v4  }
0x47: {  	vm7 =	veq.s32 v55, $0x0;
	_ =	sdelay $0x4  }
0x48: {  	v4 =	vor.u32 v2, v4  }
0x49: {  	[tilespmem:v3+s13+$0x0] =	vst.idx.msk vm7, v4  }
0x4a: {  	v4 =	vld.idx.msk [tilespmem:v3+s13+$0x0], $0xffff;
	_ =	sdelay $0x4  }
0x4b: {  	v56 =	vand.u32 v2, v4  }
0x4c: {  	vm8 =	veq.s32 v56, $0x0;
	_ =	sdelay $0x4  }
0x4d: {  	v4 =	vor.u32 v2, v4  }
0x4e: {  	[tilespmem:v3+s13+$0x0] =	vst.idx.msk vm8, v4  }
0x4f: {  	v4 =	vld.idx.msk [tilespmem:v3+s13+$0x0], $0xffff;
	_ =	sdelay $0x4  }
0x50: {  	v57 =	vand.u32 v2, v4  }
0x51: {  	vm9 =	veq.s32 v57, $0x0;
	_ =	sdelay $0x4  }
0x52: {  	v4 =	vor.u32 v2, v4  }
0x53: {  	[tilespmem:v3+s13+$0x0] =	vst.idx.msk vm9, v4  }
0x54: {  	v4 =	vld.idx.msk [tilespmem:v3+s13+$0x0], $0xffff;
	_ =	sdelay $0x4  }
0x55: {  	v58 =	vand.u32 v2, v4  }
0x56: {  	vm10 =	veq.s32 v58, $0x0;
	_ =	sdelay $0x4  }
0x57: {  	v4 =	vor.u32 v2, v4  }
0x58: {  	[tilespmem:v3+s13+$0x0] =	vst.idx.msk vm10, v4  }
0x59: {  	v4 =	vld.idx.msk [tilespmem:v3+s13+$0x0], $0xffff;
	_ =	sdelay $0x4  }
0x5a: {  	v59 =	vand.u32 v2, v4  }
0x5b: {  	vm11 =	veq.s32 v59, $0x0;
	_ =	sdelay $0x4  }
0x5c: {  	v4 =	vor.u32 v2, v4  }
0x5d: {  	[tilespmem:v3+s13+$0x0] =	vst.idx.msk vm11, v4  }
0x5e: {  	v4 =	vld.idx.msk [tilespmem:v3+s13+$0x0], $0xffff;
	_ =	sdelay $0x4  }
0x5f: {  	v60 =	vand.u32 v2, v4  }
0x60: {  	vm12 =	veq.s32 v60, $0x0;
	_ =	sdelay $0x4  }
0x61: {  	v4 =	vor.u32 v2, v4  }
0x62: {  	[tilespmem:v3+s13+$0x0] =	vst.idx.msk vm12, v4  }
0x63: {  	v4 =	vld.idx.msk [tilespmem:v3+s13+$0x0], $0xffff;
	_ =	sdelay $0x4  }
0x64: {  	v61 =	vand.u32 v2, v4  }
0x65: {  	vm13 =	veq.s32 v61, $0x0;
	_ =	sdelay $0x4  }
0x66: {  	v4 =	vor.u32 v2, v4  }
0x67: {  	[tilespmem:v3+s13+$0x0] =	vst.idx.msk vm13, v4  }
0x68: {  	v4 =	vld.idx.msk [tilespmem:v3+s13+$0x0], $0xffff;
	_ =	sdelay $0x4  }
0x69: {  	v62 =	vand.u32 v2, v4  }
0x6a: {  	vm14 =	veq.s32 v62, $0x0;
	_ =	sdelay $0x4  }
0x6b: {  	v4 =	vor.u32 v2, v4  }
0x6c: {  	[tilespmem:v3+s13+$0x0] =	vst.idx.msk vm14, v4  }
0x6d: {  	v4 =	vld.idx.msk [tilespmem:v3+s13+$0x0], $0xffff;
	_ =	sdelay $0x4  }
0x6e: {  	v63 =	vand.u32 v2, v4  }
0x6f: {  	vm15 =	veq.s32 v63, $0x0  }
0x70: {  	p0 =	sne.s32 s23, $0x3FC0  }
.Ltmp3:
0x71: {  	_ = 	snop;
	(pc) =	sbr.rel @p0 .LBB2_4-.Ltmp3, $3  }
0x72: {  	_ =	sdelay $0x1  }
0x73: {  	v2 =	vor.u32 v2, v4  }
0x74: {  	s23 =	sadd.s32 $0x40, s23;
	[tilespmem:v3+s13+$0x0] =	vst.idx.msk vm15, v2  }
0x75: {  	s23 =	simm.s32 $0x0  }
0x76: {  	[tilespmem:s14], [sflag:$0x1] =	stream.linear.gather [hbm4b:s7+s23], $0x4000, $0x38;
	[tilespmem:$0x19000] =	vst v63  }
0x77: {  	_ = 	snop  }
0x78: {  	[tilespmem:s15], [sflag:$0x2] =	stream.linear.gather [hbm4b:s8+s23], $0x4000, $0x38;
	[tilespmem:$0x19000] =	vst v63  }
.LBB2_6:
0x79: {  	_ =	swait.ge [sflag:s16], $0x4000  }
0x7a: {  	p0 =	seq.s32 s23, $0x0;
	[sflag:s16] =	ssyncset.done $0x0  }
0x7b: {  	s24 =	simm.s32 @!p0 $0x3;
	[sflag:s16] =	ssyncadd.s32 $0xFFFFC000  }
0x7c: {  	_ =	swait.ge @!p0 [sflag:s24], $0x4000  }
0x7d: {  	[sflag:s24] =	ssyncset.done @!p0 $0x0  }
0x7e: {  	s26 =	simm.s32 $0x0;
	[sflag:s24] =	ssyncadd.s32 @!p0 $0xFFFFC000  }
0x7f: {  	v2 =	vld [tilespmem:s26+$0x9000];
	_ =	sdelay $0x4  }
0x80: {  	v3 =	vshrl.u32 v2, $0x5;
	_ =	sdelay $0x2  }
0x81: {  	v4 =	vld [tilespmem:s26+$0x9010];
	_ =	sdelay $0x1  }
0x82: {  	v3 =	vld.idx.msk [tilespmem:v3+s13+$0x0], $0xffff;
	_ =	sdelay $0x2  }
0x83: {  	v5 =	vshrl.u32 v4, $0x5  }
0x84: {  	v2 =	vand.u32 $0x1F, v2  }
0x85: {  	v2 =	vshrl.u32 v3, v2  }
0x86: {  	v3 =	vld [tilespmem:s26+$0x9020];
	v2 =	vand.u32 $0x1, v2  }
0x87: {  	[tilespmem:s26+$0x11000] =	vst v2  }
0x88: {  	v2 =	vld.idx.msk [tilespmem:v5+s13+$0x0], $0xffff;
	_ =	sdelay $0x2  }
0x89: {  	v5 =	vshrl.u32 v3, $0x5  }
0x8a: {  	v4 =	vand.u32 $0x1F, v4  }
0x8b: {  	v2 =	vshrl.u32 v2, v4  }
0x8c: {  	v2 =	vand.u32 $0x1, v2  }
0x8d: {  	[tilespmem:s26+$0x11010] =	vst v2;
	v2 =	vld [tilespmem:s26+$0x9030]  }
0x8e: {  	v4 =	vld.idx.msk [tilespmem:v5+s13+$0x0], $0xffff;
	_ =	sdelay $0x3  }
0x8f: {  	v3 =	vand.u32 $0x1F, v3  }
0x90: {  	v4 =	vshrl.u32 v4, v3;
	v3 =	vshrl.u32 v2, $0x5;
	_ =	sdelay $0x1  }
0x91: {  	s24 =	sshll.u32 s23, $0xF  }
0x92: {  	s29 =	simm.s32 $0x40;
	s28 =	simm.s32 $0x200;
	s25 =	sor.u32 s6, s24;
	v4 =	vand.u32 $0x1, v4  }
.LBB2_7:
0x93: {  	p1 =	sne.s32 s28, $0xFF00;
	v5 =	vld [tilespmem:s29+$0x9000];
	[tilespmem:s26+$0x11020] =	vst v4  }
0x94: {  	v3 =	vld.idx.msk [tilespmem:v3+s13+$0x0], $0xffff;
	_ =	sdelay $0x3  }
0x95: {  	v4 =	vshrl.u32 v5, $0x5  }
0x96: {  	v2 =	vand.u32 $0x1F, v2  }
0x97: {  	v2 =	vshrl.u32 v3, v2  }
0x98: {  	v2 =	vand.u32 $0x1, v2  }
0x99: {  	v3 =	vld [tilespmem:s29+$0x9010];
	[tilespmem:s26+$0x11030] =	vst v2;
	s26 =	smov.u32 s29  }
0x9a: {  	v2 =	vld.idx.msk [tilespmem:v4+s13+$0x0], $0xffff;
	_ =	sdelay $0x3  }
0x9b: {  	v4 =	vshrl.u32 v3, $0x5  }
0x9c: {  	v5 =	vand.u32 $0x1F, v5  }
0x9d: {  	v2 =	vshrl.u32 v2, v5  }
0x9e: {  	v2 =	vand.u32 $0x1, v2  }
0x9f: {  	[tilespmem:s26+$0x11000] =	vst v2;
	v5 =	vld [tilespmem:s26+$0x9020]  }
0xa0: {  	v2 =	vld.idx.msk [tilespmem:v4+s13+$0x0], $0xffff;
	_ =	sdelay $0x3  }
0xa1: {  	v4 =	vshrl.u32 v5, $0x5  }
0xa2: {  	v3 =	vand.u32 $0x1F, v3  }
0xa3: {  	v2 =	vshrl.u32 v2, v3  }
0xa4: {  	v2 =	vand.u32 $0x1, v2  }
0xa5: {  	[tilespmem:s26+$0x11010] =	vst v2;
	v2 =	vld [tilespmem:s26+$0x9030]  }
0xa6: {  	v4 =	vld.idx.msk [tilespmem:v4+s13+$0x0], $0xffff;
	_ =	sdelay $0x2  }
.Ltmp4:
0xa7: {  	(pc) =	sbr.rel @p1 .LBB2_7-.Ltmp4, $4  }
0xa8: {  	v3 =	vshrl.u32 v2, $0x5  }
0xa9: {  	v5 =	vand.u32 $0x1F, v5  }
0xaa: {  	v4 =	vshrl.u32 v4, v5  }
0xab: {  	s29 =	sshra.s32 s28, $0x2;
	s28 =	sadd.s32 $0x100, s28;
	v4 =	vand.u32 $0x1, v4  }
0xac: {  	_ =	sdelay $0x1  }
0xad: {  	v5 =	vld [tilespmem:s29+$0x9000]  }
0xae: {  	[tilespmem:s26+$0x11020] =	vst v4  }
0xaf: {  	v3 =	vld.idx.msk [tilespmem:v3+s13+$0x0], $0xffff;
	_ =	sdelay $0x2  }
0xb0: {  	v59 =	vshrl.u32 v5, $0x5  }
0xb1: {  	v2 =	vand.u32 $0x1F, v2  }
0xb2: {  	v2 =	vshrl.u32 v3, v2  }
0xb3: {  	v3 =	vld [tilespmem:s29+$0x9010];
	v2 =	vand.u32 $0x1, v2  }
0xb4: {  	[tilespmem:s26+$0x11030] =	vst v2  }
0xb5: {  	v2 =	vld.idx.msk [tilespmem:v59+s13+$0x0], $0xffff;
	_ =	sdelay $0x2  }
0xb6: {  	v60 =	vshrl.u32 v3, $0x5  }
0xb7: {  	v5 =	vand.u32 $0x1F, v5  }
0xb8: {  	v2 =	vshrl.u32 v2, v5  }
0xb9: {  	v2 =	vand.u32 $0x1, v2  }
0xba: {  	[tilespmem:s29+$0x11000] =	vst v2;
	v2 =	vld [tilespmem:s29+$0x9020]  }
0xbb: {  	v4 =	vld.idx.msk [tilespmem:v60+s13+$0x0], $0xffff;
	_ =	sdelay $0x3  }
0xbc: {  	v3 =	vand.u32 $0x1F, v3;
	v61 =	vshrl.u32 v2, $0x5  }
0xbd: {  	v3 =	vshrl.u32 v4, v3  }
0xbe: {  	v3 =	vand.u32 $0x1, v3  }
0xbf: {  	[tilespmem:s29+$0x11010] =	vst v3;
	v3 =	vld [tilespmem:s29+$0x9030];
	_ =	sdelay $0x1  }
0xc0: {  	v62 =	vld.idx.msk [tilespmem:v61+s13+$0x0], $0xffff;
	_ =	sdelay $0x2  }
0xc1: {  	v63 =	vshrl.u32 v3, $0x5  }
0xc2: {  	v2 =	vand.u32 $0x1F, v2  }
0xc3: {  	v2 =	vshrl.u32 v62, v2  }
0xc4: {  	v2 =	vand.u32 $0x1, v2  }
0xc5: {  	[tilespmem:s29+$0x11020] =	vst v2  }
0xc6: {  	v2 =	vld.idx.msk [tilespmem:v63+s13+$0x0], $0xffff;
	_ =	sdelay $0x2  }
0xc7: {  	p1 =	sne.s32 s23, $0x1F  }
.Ltmp5:
0xc8: {  	v3 =	vand.u32 $0x1F, v3;
	(pc) =	sbr.rel @p1 .LBB2_10-.Ltmp5, $4  }
0xc9: {  	v2 =	vshrl.u32 v2, v3  }
0xca: {  	s25 =	sshrl.u32 s25, $0x3;
	v2 =	vand.u32 $0x1, v2  }
0xcb: {  	s31 =	sadd.s32 s4, s25;
	[tilespmem:s29+$0x11030] =	vst v2  }
0xcc: {  	[hbm4b:s31+s5] =	stream.linear.scatter [tilespmem:s17], [sflag:$0x3], $0x4000, $0x38;
	[tilespmem:$0x19000] =	vst v63  }
.Ltmp6:
0xcd: {  	(pc) =	sbr.rel .LBB2_11-.Ltmp6, $4  }
0xce: {  	_ = 	snop  }
0xcf: {  	_ =	swait.ge [sflag:s18], $0x4000  }
0xd0: {  	[sflag:s18] =	ssyncset.done $0x0  }
0xd1: {  	[sflag:s18] =	ssyncadd.s32 $0xFFFFC000  }
.LBB2_10:
0xd2: {  	s26 =	sadd.s32 s24, s9  }
0xd3: {  	s26 =	sshrl.u32 s26, $0x3  }
.Ltmp7:
0xd4: {  	s26 =	sadd.s32 s2, s26;
	(pc) =	sbr.rel @p0 .LBB2_12-.Ltmp7, $4  }
0xd5: {  	[tilespmem:s14], [sflag:$0x1] =	stream.linear.gather [hbm4b:s26+s5], $0x4000, $0x38;
	[tilespmem:$0x19000] =	vst v63  }
0xd6: {  	_ =	swait.ge [sflag:s18], $0x4000  }
0xd7: {  	[sflag:s18] =	ssyncset.done $0x0  }
0xd8: {  	[sflag:s18] =	ssyncadd.s32 $0xFFFFC000  }
.LBB2_11:
0xd9: {  	_ =	swait.ge [sflag:s19], $0x4000  }
0xda: {  	[sflag:s19] =	ssyncset.done $0x0  }
0xdb: {  	[sflag:s19] =	ssyncadd.s32 $0xFFFFC000  }
.LBB2_12:
0xdc: {  	s26 =	simm.s32 $0x0  }
0xdd: {  	v2 =	vld [tilespmem:s26+$0xD000];
	_ =	sdelay $0x4  }
0xde: {  	v3 =	vshrl.u32 v2, $0x5;
	_ =	sdelay $0x2  }
0xdf: {  	v4 =	vld [tilespmem:s26+$0xD010];
	_ =	sdelay $0x1  }
0xe0: {  	v3 =	vld.idx.msk [tilespmem:v3+s13+$0x0], $0xffff;
	_ =	sdelay $0x2  }
0xe1: {  	v5 =	vshrl.u32 v4, $0x5  }
0xe2: {  	v2 =	vand.u32 $0x1F, v2  }
0xe3: {  	v2 =	vshrl.u32 v3, v2  }
0xe4: {  	v3 =	vld [tilespmem:s26+$0xD020];
	v2 =	vand.u32 $0x1, v2  }
0xe5: {  	[tilespmem:s26+$0x15000] =	vst v2  }
0xe6: {  	v2 =	vld.idx.msk [tilespmem:v5+s13+$0x0], $0xffff;
	_ =	sdelay $0x2  }
0xe7: {  	v5 =	vshrl.u32 v3, $0x5  }
0xe8: {  	v4 =	vand.u32 $0x1F, v4  }
0xe9: {  	v2 =	vshrl.u32 v2, v4  }
0xea: {  	v2 =	vand.u32 $0x1, v2  }
0xeb: {  	[tilespmem:s26+$0x15010] =	vst v2;
	v2 =	vld [tilespmem:s26+$0xD030]  }
0xec: {  	v4 =	vld.idx.msk [tilespmem:v5+s13+$0x0], $0xffff;
	_ =	sdelay $0x3  }
0xed: {  	v3 =	vand.u32 $0x1F, v3  }
0xee: {  	v4 =	vshrl.u32 v4, v3;
	v3 =	vshrl.u32 v2, $0x5;
	_ =	sdelay $0x2  }
0xef: {  	s29 =	simm.s32 $0x40;
	s28 =	simm.s32 $0x200;
	v4 =	vand.u32 $0x1, v4  }
.LBB2_13:
0xf0: {  	p0 =	sne.s32 s28, $0xFF00;
	v5 =	vld [tilespmem:s29+$0xD000];
	[tilespmem:s26+$0x15020] =	vst v4  }
0xf1: {  	v3 =	vld.idx.msk [tilespmem:v3+s13+$0x0], $0xffff;
	_ =	sdelay $0x3  }
0xf2: {  	v4 =	vshrl.u32 v5, $0x5  }
0xf3: {  	v2 =	vand.u32 $0x1F, v2  }
0xf4: {  	v2 =	vshrl.u32 v3, v2  }
0xf5: {  	v2 =	vand.u32 $0x1, v2  }
0xf6: {  	v3 =	vld [tilespmem:s29+$0xD010];
	[tilespmem:s26+$0x15030] =	vst v2;
	s26 =	smov.u32 s29  }
0xf7: {  	v2 =	vld.idx.msk [tilespmem:v4+s13+$0x0], $0xffff;
	_ =	sdelay $0x3  }
0xf8: {  	v4 =	vshrl.u32 v3, $0x5  }
0xf9: {  	v5 =	vand.u32 $0x1F, v5  }
0xfa: {  	v2 =	vshrl.u32 v2, v5  }
0xfb: {  	v2 =	vand.u32 $0x1, v2  }
0xfc: {  	[tilespmem:s26+$0x15000] =	vst v2;
	v5 =	vld [tilespmem:s26+$0xD020]  }
0xfd: {  	v2 =	vld.idx.msk [tilespmem:v4+s13+$0x0], $0xffff;
	_ =	sdelay $0x3  }
0xfe: {  	v4 =	vshrl.u32 v5, $0x5  }
0xff: {  	v3 =	vand.u32 $0x1F, v3  }
0x100: {  	v2 =	vshrl.u32 v2, v3  }
0x101: {  	v2 =	vand.u32 $0x1, v2  }
0x102: {  	[tilespmem:s26+$0x15010] =	vst v2;
	v2 =	vld [tilespmem:s26+$0xD030]  }
0x103: {  	v4 =	vld.idx.msk [tilespmem:v4+s13+$0x0], $0xffff;
	_ =	sdelay $0x2  }
.Ltmp8:
0x104: {  	(pc) =	sbr.rel @p0 .LBB2_13-.Ltmp8, $4  }
0x105: {  	v3 =	vshrl.u32 v2, $0x5  }
0x106: {  	v5 =	vand.u32 $0x1F, v5  }
0x107: {  	v4 =	vshrl.u32 v4, v5  }
0x108: {  	s29 =	sshra.s32 s28, $0x2;
	s28 =	sadd.s32 $0x100, s28;
	v4 =	vand.u32 $0x1, v4  }
0x109: {  	_ =	sdelay $0x1  }
0x10a: {  	v5 =	vld [tilespmem:s29+$0xD000]  }
0x10b: {  	[tilespmem:s26+$0x15020] =	vst v4  }
0x10c: {  	v3 =	vld.idx.msk [tilespmem:v3+s13+$0x0], $0xffff;
	_ =	sdelay $0x2  }
0x10d: {  	v59 =	vshrl.u32 v5, $0x5  }
0x10e: {  	v2 =	vand.u32 $0x1F, v2  }
0x10f: {  	v2 =	vshrl.u32 v3, v2  }
0x110: {  	v3 =	vld [tilespmem:s29+$0xD010];
	v2 =	vand.u32 $0x1, v2  }
0x111: {  	[tilespmem:s26+$0x15030] =	vst v2  }
0x112: {  	v2 =	vld.idx.msk [tilespmem:v59+s13+$0x0], $0xffff;
	_ =	sdelay $0x2  }
0x113: {  	v60 =	vshrl.u32 v3, $0x5  }
0x114: {  	v5 =	vand.u32 $0x1F, v5  }
0x115: {  	v2 =	vshrl.u32 v2, v5  }
0x116: {  	v2 =	vand.u32 $0x1, v2  }
0x117: {  	[tilespmem:s29+$0x15000] =	vst v2;
	v2 =	vld [tilespmem:s29+$0xD020]  }
0x118: {  	v4 =	vld.idx.msk [tilespmem:v60+s13+$0x0], $0xffff;
	_ =	sdelay $0x3  }
0x119: {  	v3 =	vand.u32 $0x1F, v3;
	v61 =	vshrl.u32 v2, $0x5  }
0x11a: {  	v3 =	vshrl.u32 v4, v3  }
0x11b: {  	v3 =	vand.u32 $0x1, v3  }
0x11c: {  	[tilespmem:s29+$0x15010] =	vst v3;
	v3 =	vld [tilespmem:s29+$0xD030];
	_ =	sdelay $0x1  }
0x11d: {  	v62 =	vld.idx.msk [tilespmem:v61+s13+$0x0], $0xffff;
	_ =	sdelay $0x2  }
0x11e: {  	v63 =	vshrl.u32 v3, $0x5  }
0x11f: {  	v2 =	vand.u32 $0x1F, v2  }
0x120: {  	v2 =	vshrl.u32 v62, v2  }
0x121: {  	v2 =	vand.u32 $0x1, v2  }
0x122: {  	[tilespmem:s29+$0x15020] =	vst v2  }
0x123: {  	v2 =	vld.idx.msk [tilespmem:v63+s13+$0x0], $0xffff;
	_ =	sdelay $0x2  }
0x124: {  	p0 =	seq.s32 s23, $0x1F  }
.Ltmp9:
0x125: {  	v3 =	vand.u32 $0x1F, v3;
	(pc) =	sbr.rel @p0 .LBB2_16-.Ltmp9, $4  }
0x126: {  	v2 =	vshrl.u32 v2, v3  }
0x127: {  	s25 =	sadd.s32 s25, s4;
	v2 =	vand.u32 $0x1, v2  }
0x128: {  	s25 =	sadd.s32 $0x800, s25;
	[tilespmem:s29+$0x15030] =	vst v2  }
0x129: {  	[hbm4b:s25+s5] =	stream.linear.scatter [tilespmem:s20], [sflag:$0x4], $0x4000, $0x38;
	[tilespmem:$0x19000] =	vst v63  }
.Ltmp10:
0x12a: {  	(pc) =	sbr.rel .LBB2_6-.Ltmp10, $4  }
0x12b: {  	s24 =	sadd.s32 s24, s10  }
0x12c: {  	s24 =	sshrl.u32 s24, $0x3  }
0x12d: {  	s23 =	sadd.s32 $0x1, s23;
	s24 =	sadd.s32 s2, s24  }
0x12e: {  	[tilespmem:s15], [sflag:$0x2] =	stream.linear.gather [hbm4b:s24+s5], $0x4000, $0x38;
	[tilespmem:$0x19000] =	vst v63  }
.LBB2_17:
0x12f: {  	_ =	sfence.sel $0x180000  }
0x130: {  	[bflag:$0x0] =	sbarrier.arrive $0xFFFF  }
0x131: {  	p0 =	sne.s32 s1, $0x0;
	_ =	strace $0x90000047  }
0x132: {  	s0 =	sadd.s32 @!p0 $0x100000, s0;
	[bflag:$0x2] =	sbarrier.arrive $0xFFFF  }
0x133: {  	[sflag:s0] =	ssyncadd.tile.s32 @!p0 $0x1;
	_ =	shalt  }
.Lfunc_end2:
_tile_overlayer_lowered:
.L_overlay_start_2:
0x134: {  	(tag) =	ssettag $0x2  }
0x135: {  	s0 =	rddreg [dreg:$0x0];
	s2 =	stileid.u32  }
0x136: {  	s1 =	rddreg [dreg:$0x1];
	p0 =	sne.s32 s2, $0x0  }
0x137: {  	s3 =	rddreg [dreg:$0x2];
	[bflag:$0x3] =	sbarrier.arrive $0xFFFF;
	s2 =	simm.s32 @!p0 $0x1C05  }
0x138: {  	[timem:s3], [sflag:s2] =	dma.local @!p0 [hbm:s0], s1  }
0x139: {  	s0 =	simm.s32 @!p0 $0x5  }
0x13a: {  	_ =	swait.ge @!p0 [sflag:s0], s1  }
0x13b: {  	s1 =	ssub.s32 @!p0 $0x0, s1;
	[sflag:s0] =	ssyncset.done @!p0 $0x0  }
0x13c: {  	[sflag:s0] =	ssyncadd.s32 @!p0 s1  }
0x13d: {  	[bflag:$0x3] =	sbarrier.arrive $0xFFFF  }
0x13e: {  	_ =	shalt  }

</sc_bundles>
